<compile_context>
chip_gen: v7x
topology: tpu7x:2x2x1
jax: 0.10.2.dev20260603
libtpu: 0.0.44.dev20260713+nightly
codegen_flags: <defaults>
</compile_context>

<pallas_src>
import jax
import jax.numpy as jnp
from jax import lax
from jax.experimental import pallas as pl
from jax.experimental.pallas import tpu as pltpu
from jax.experimental.pallas import tpu_sc as plsc

N = 50000
E = 1600000
DT = 0.1
NC = 2
NS = 16
NW = NC * NS
CHUNK = 2048
CROWS = CHUNK // 128
NCHUNKS = 25
EPW = CHUNK * NCHUNKS
EPAD = EPW * NW
VL = 16
NPAD = 50176
SLC = NPAD // NS


def _seg_body(r_hbm, src_hbm, tgt_hbm, w_hbm, out_hbm,
              r_l, sbuf, wbuf, tbuf, ebuf, zbuf, acc_s):
    c = lax.axis_index("c")
    s = lax.axis_index("s")
    wid = c * NS + s
    base = wid * EPW

    pltpu.sync_copy(r_hbm, r_l)

    def zb(i, carry):
        zbuf[pl.ds(i * VL, VL)] = jnp.zeros((VL,), jnp.float32)
        return carry
    lax.fori_loop(0, SLC // VL, zb, 0, unroll=8)
    pltpu.sync_copy(zbuf, acc_s.at[pl.ds(s * SLC, SLC)])
    plsc.subcore_barrier()

    def cbody(ci, carry):
        off = base + ci * CHUNK
        pltpu.sync_copy(src_hbm.at[pl.ds(off, CHUNK)], sbuf)
        pltpu.sync_copy(w_hbm.at[pl.ds(off, CHUNK)], wbuf)
        pltpu.sync_copy(tgt_hbm.at[pl.ds(off, CHUNK)], tbuf)

        def ibody(j, icarry):
            sl = pl.ds(j * VL, VL)
            sv = sbuf[sl]
            wv = wbuf[sl]
            rv = plsc.load_gather(r_l, [sv])
            ebuf[sl] = rv * wv
            return icarry
        lax.fori_loop(0, CHUNK // VL, ibody, 0, unroll=4)

        pltpu.sync_copy(ebuf, acc_s.at[tbuf], add=True)
        return carry
    lax.fori_loop(0, NCHUNKS, cbody, 0)
    plsc.subcore_barrier()

    pltpu.sync_copy(acc_s.at[pl.ds(s * SLC, SLC)], zbuf)
    pltpu.sync_copy(zbuf, out_hbm.at[pl.ds(c * NPAD + s * SLC, SLC)])


_seg = pl.kernel(
    _seg_body,
    out_type=jax.ShapeDtypeStruct((NC * NPAD,), jnp.float32),
    mesh=plsc.VectorSubcoreMesh(core_axis_name="c", subcore_axis_name="s"),
    scratch_types=[
        pltpu.VMEM((N,), jnp.float32),
        pltpu.VMEM((CHUNK,), jnp.int32),
        pltpu.VMEM((CHUNK,), jnp.float32),
        pltpu.VMEM((CHUNK,), jnp.int32),
        pltpu.VMEM((CHUNK,), jnp.float32),
        pltpu.VMEM((SLC,), jnp.float32),
        pltpu.VMEM_SHARED((NPAD,), jnp.float32),
    ],
    compiler_params=pltpu.CompilerParams(needs_layout_passes=False),
)


def kernel(tm1_input, weights, tau_params, bias, scale_excitatory,
           scale_inhibitory, source_indices, target_indices, type_ids,
           tm1_positions, steps):
    edge_scales = jnp.where(
        weights > 0, scale_excitatory,
        jnp.where(weights < 0, scale_inhibitory, jnp.ones_like(weights)))
    w = weights * edge_scales

    npadE = EPAD - E
    src_p = jnp.concatenate([source_indices, jnp.zeros((npadE,), jnp.int32)])
    tgt_p = jnp.concatenate(
        [target_indices, jnp.full((npadE,), N, jnp.int32)])
    w_p = jnp.concatenate([w, jnp.zeros((npadE,), jnp.float32)])

    tau = tau_params[type_ids]
    alpha = DT / tau
    is_tm1 = jnp.zeros((N,), jnp.bool_).at[tm1_positions].set(True)
    stim_full = jnp.zeros((N,), jnp.float32).at[tm1_positions].set(tm1_input[0])

    def step(_, v):
        v_c = jnp.where(is_tm1, stim_full, v)
        r = jax.nn.relu(v_c)
        parts = _seg(r, src_p, tgt_p, w_p)
        syn = parts[:N] + parts[NPAD:NPAD + N]
        v_new = v_c + alpha * (syn + bias - v_c)
        return jnp.where(is_tm1, stim_full, v_new)

    v = lax.fori_loop(0, steps, step, jnp.zeros((N,), jnp.float32))
    return v[None, :]

# --- scband reference (transcript-rebuilt; emitter-appended) ---
"""Pipeline reference for scband-drosophila-optic-lobe-circuit-4105988735042 (READ-ONLY COPY).

The authoritative reference and input builder live on the scoring server;
editing this copy changes nothing except your own understanding.
"""

import jax, jax.numpy as jnp
import numpy as np

N = 50000
E = 1600000
N_TYPES = 7
DT = 0.1
TAU_INIT = 20.0
STEPS = 10


def setup_inputs(seed: int = 0) -> dict:
    key = jax.random.key(seed)
    k1, k2, k3, k4 = jax.random.split(key, 4)
    # Tm1 neurons are assigned round-robin: type of neuron i is (i % 7), Tm1 == type 0
    tm1_positions = jnp.arange(0, N, N_TYPES, dtype=jnp.int32)
    n_tm1 = tm1_positions.shape[0]
    type_ids = (jnp.arange(N, dtype=jnp.int32) % N_TYPES).astype(jnp.int32)
    return {
        "tm1_input": jax.random.uniform(k1, (1, n_tm1), dtype=jnp.float32),
        "weights": jax.random.normal(k2, (E,), dtype=jnp.float32),
        "tau_params": jnp.full((N_TYPES,), TAU_INIT, dtype=jnp.float32),
        "bias": jnp.zeros((N,), dtype=jnp.float32),
        "scale_excitatory": jnp.asarray(1.0, dtype=jnp.float32),
        "scale_inhibitory": jnp.asarray(1.0, dtype=jnp.float32),
        "source_indices": jax.random.randint(k3, (E,), 0, N, dtype=jnp.int32),
        "target_indices": jax.random.randint(k4, (E,), 0, N, dtype=jnp.int32),
        "type_ids": type_ids,
        "tm1_positions": tm1_positions,
        "steps": STEPS,
    }


def reference(tm1_input, weights, tau_params, bias, scale_excitatory,
              scale_inhibitory, source_indices, target_indices, type_ids,
              tm1_positions, steps):
    # per-neuron tau from per-type parameters (get_tau_vector)
    tau = tau_params[type_ids]  # [N]
    # edge scaling: excitatory/inhibitory global scales
    edge_scales = jnp.where(
        weights > 0, scale_excitatory,
        jnp.where(weights < 0, scale_inhibitory, jnp.ones_like(weights)))
    scaled_weights = weights * edge_scales  # [E]
    v = jnp.zeros((1, N), dtype=jnp.float32)

    def step_body(_, v):
        # clamp Tm1 neurons to the external stimulus
        v = v.at[:, tm1_positions].set(tm1_input)
        r = jax.nn.relu(v)
        # gather source activities over edges
        source_activities = r[:, source_indices]  # [1, E]
        edge_currents = source_activities * scaled_weights[None, :]
        # scatter-add onto target neurons (target_sum)
        synaptic_input = jax.ops.segment_sum(
            edge_currents[0], target_indices, num_segments=N)[None, :]
        total_input = synaptic_input + bias[None, :]
        dv = (-v + total_input) / tau[None, :]
        dv = dv.at[:, tm1_positions].set(0.0)
        v = v + DT * dv
        return v

    v = jax.lax.fori_loop(0, steps, step_body, v)
    return v

if __name__ == "__main__":
    import jax
    _d = setup_inputs()
    print(jax.jit(kernel)(*tuple(_d.values())))

</pallas_src>

<mosaic_0001>
#map = affine_map<(d0, d1) -> (0)>
module attributes {stable_mosaic.version = 14 : i64} {
  func.func @_seg_body(%arg0: i32, %arg1: i32, %arg2: memref<50000xf32, #tpu.memory_space<hbm>>, %arg3: memref<1638400xi32, #tpu.memory_space<hbm>>, %arg4: memref<1638400xi32, #tpu.memory_space<hbm>>, %arg5: memref<1638400xf32, #tpu.memory_space<hbm>>, %arg6: memref<100352xf32, #tpu.memory_space<hbm>>, %arg7: memref<50000xf32, #tpu.memory_space<vmem>>, %arg8: memref<2048xi32, #tpu.memory_space<vmem>>, %arg9: memref<2048xf32, #tpu.memory_space<vmem>>, %arg10: memref<2048xi32, #tpu.memory_space<vmem>>, %arg11: memref<2048xf32, #tpu.memory_space<vmem>>, %arg12: memref<3136xf32, #tpu.memory_space<vmem>>, %arg13: memref<50176xf32, #tpu.memory_space<vmem_shared>>) attributes {dimension_semantics = [#tpu.dimension_semantics<core_parallel>, #tpu.dimension_semantics<subcore_parallel>], iteration_bounds = array<i64: 2, 16>, scalar_prefetch = 0 : i64, scratch_operands = 7 : i64, tpu.core_type = #tpu.core_type<sc_vector_subcore>, window_params = [{transform_indices = #map}, {transform_indices = #map}, {transform_indices = #map}, {transform_indices = #map}, {transform_indices = #map}]} {
    %mul3A = arith.constant 16 : i32
    %mul3A_0 = arith.muli %arg0, %mul3A : i32
    %add3A = arith.addi %mul3A_0, %arg1 : i32
    %mul3A_1 = arith.constant 51200 : i32
    %mul3A_2 = arith.muli %add3A, %mul3A_1 : i32
    "tpu.region"() ({
      %run_scoped3A = tpu.sem_alloc : memref<!tpu.dma_semaphore, #tpu.memory_space<semaphore_mem>>
      tpu.enqueue_dma source(%arg2 : memref<50000xf32, #tpu.memory_space<hbm>>) target(%arg7 : memref<50000xf32, #tpu.memory_space<vmem>>) target_semaphore(%run_scoped3A : memref<!tpu.dma_semaphore, #tpu.memory_space<semaphore_mem>>)
      tpu.wait_dma2 semaphore(%run_scoped3A : memref<!tpu.dma_semaphore, #tpu.memory_space<semaphore_mem>>) src(%arg2 : memref<50000xf32, #tpu.memory_space<hbm>>) dst(%arg7 : memref<50000xf32, #tpu.memory_space<vmem>>)
      tpu.yield
    }) : () -> ()
    %scan3A = arith.constant 0 : i32
    %scan3A_3 = arith.constant 0 : i32
    %scan3A_4 = arith.constant 192 : i32
    %scan3A_5 = arith.addi %scan3A_3, %scan3A_4 : i32
    %scan3A_6 = arith.constant 8 : i32
    scf.for %scan3A_54 = %scan3A_3 to %scan3A_5 step %scan3A_6  : i32 {
      %broadcast_in_dim3A_55 = arith.constant 0.000000e+00 : f32
      %broadcast_in_dim3A_56 = vector.broadcast %broadcast_in_dim3A_55 : f32 to vector<16xf32>
      %mul3A_57 = arith.constant 16 : i32
      %mul3A_58 = arith.muli %scan3A_54, %mul3A_57 : i32
      %swap3A_59 = arith.index_cast %mul3A_58 : i32 to index
      %swap3A_60 = tpu.vector_load %arg12[%swap3A_59] {strides = array<i32>} : memref<3136xf32, #tpu.memory_space<vmem>>, vector<16xf32>,
      tpu.vector_store %arg12[%swap3A_59], %broadcast_in_dim3A_56 {strides = array<i32>} : memref<3136xf32, #tpu.memory_space<vmem>>, vector<16xf32>,
      %scan3A_61 = arith.constant 1 : i32
      %scan3A_62 = arith.addi %scan3A_54, %scan3A_61 : i32
      %broadcast_in_dim3A_63 = arith.constant 0.000000e+00 : f32
      %broadcast_in_dim3A_64 = vector.broadcast %broadcast_in_dim3A_63 : f32 to vector<16xf32>
      %mul3A_65 = arith.constant 16 : i32
      %mul3A_66 = arith.muli %scan3A_62, %mul3A_65 : i32
      %swap3A_67 = arith.index_cast %mul3A_66 : i32 to index
      %swap3A_68 = tpu.vector_load %arg12[%swap3A_67] {strides = array<i32>} : memref<3136xf32, #tpu.memory_space<vmem>>, vector<16xf32>,
      tpu.vector_store %arg12[%swap3A_67], %broadcast_in_dim3A_64 {strides = array<i32>} : memref<3136xf32, #tpu.memory_space<vmem>>, vector<16xf32>,
      %scan3A_69 = arith.constant 2 : i32
      %scan3A_70 = arith.addi %scan3A_54, %scan3A_69 : i32
      %broadcast_in_dim3A_71 = arith.constant 0.000000e+00 : f32
      %broadcast_in_dim3A_72 = vector.broadcast %broadcast_in_dim3A_71 : f32 to vector<16xf32>
      %mul3A_73 = arith.constant 16 : i32
      %mul3A_74 = arith.muli %scan3A_70, %mul3A_73 : i32
      %swap3A_75 = arith.index_cast %mul3A_74 : i32 to index
      %swap3A_76 = tpu.vector_load %arg12[%swap3A_75] {strides = array<i32>} : memref<3136xf32, #tpu.memory_space<vmem>>, vector<16xf32>,
      tpu.vector_store %arg12[%swap3A_75], %broadcast_in_dim3A_72 {strides = array<i32>} : memref<3136xf32, #tpu.memory_space<vmem>>, vector<16xf32>,
      %scan3A_77 = arith.constant 3 : i32
      %scan3A_78 = arith.addi %scan3A_54, %scan3A_77 : i32
      %broadcast_in_dim3A_79 = arith.constant 0.000000e+00 : f32
      %broadcast_in_dim3A_80 = vector.broadcast %broadcast_in_dim3A_79 : f32 to vector<16xf32>
      %mul3A_81 = arith.constant 16 : i32
      %mul3A_82 = arith.muli %scan3A_78, %mul3A_81 : i32
      %swap3A_83 = arith.index_cast %mul3A_82 : i32 to index
      %swap3A_84 = tpu.vector_load %arg12[%swap3A_83] {strides = array<i32>} : memref<3136xf32, #tpu.memory_space<vmem>>, vector<16xf32>,
      tpu.vector_store %arg12[%swap3A_83], %broadcast_in_dim3A_80 {strides = array<i32>} : memref<3136xf32, #tpu.memory_space<vmem>>, vector<16xf32>,
      %scan3A_85 = arith.constant 4 : i32
      %scan3A_86 = arith.addi %scan3A_54, %scan3A_85 : i32
      %broadcast_in_dim3A_87 = arith.constant 0.000000e+00 : f32
      %broadcast_in_dim3A_88 = vector.broadcast %broadcast_in_dim3A_87 : f32 to vector<16xf32>
      %mul3A_89 = arith.constant 16 : i32
      %mul3A_90 = arith.muli %scan3A_86, %mul3A_89 : i32
      %swap3A_91 = arith.index_cast %mul3A_90 : i32 to index
      %swap3A_92 = tpu.vector_load %arg12[%swap3A_91] {strides = array<i32>} : memref<3136xf32, #tpu.memory_space<vmem>>, vector<16xf32>,
      tpu.vector_store %arg12[%swap3A_91], %broadcast_in_dim3A_88 {strides = array<i32>} : memref<3136xf32, #tpu.memory_space<vmem>>, vector<16xf32>,
      %scan3A_93 = arith.constant 5 : i32
      %scan3A_94 = arith.addi %scan3A_54, %scan3A_93 : i32
      %broadcast_in_dim3A_95 = arith.constant 0.000000e+00 : f32
      %broadcast_in_dim3A_96 = vector.broadcast %broadcast_in_dim3A_95 : f32 to vector<16xf32>
      %mul3A_97 = arith.constant 16 : i32
      %mul3A_98 = arith.muli %scan3A_94, %mul3A_97 : i32
      %swap3A_99 = arith.index_cast %mul3A_98 : i32 to index
      %swap3A_100 = tpu.vector_load %arg12[%swap3A_99] {strides = array<i32>} : memref<3136xf32, #tpu.memory_space<vmem>>, vector<16xf32>,
      tpu.vector_store %arg12[%swap3A_99], %broadcast_in_dim3A_96 {strides = array<i32>} : memref<3136xf32, #tpu.memory_space<vmem>>, vector<16xf32>,
      %scan3A_101 = arith.constant 6 : i32
      %scan3A_102 = arith.addi %scan3A_54, %scan3A_101 : i32
      %broadcast_in_dim3A_103 = arith.constant 0.000000e+00 : f32
      %broadcast_in_dim3A_104 = vector.broadcast %broadcast_in_dim3A_103 : f32 to vector<16xf32>
      %mul3A_105 = arith.constant 16 : i32
      %mul3A_106 = arith.muli %scan3A_102, %mul3A_105 : i32
      %swap3A_107 = arith.index_cast %mul3A_106 : i32 to index
      %swap3A_108 = tpu.vector_load %arg12[%swap3A_107] {strides = array<i32>} : memref<3136xf32, #tpu.memory_space<vmem>>, vector<16xf32>,
      tpu.vector_store %arg12[%swap3A_107], %broadcast_in_dim3A_104 {strides = array<i32>} : memref<3136xf32, #tpu.memory_space<vmem>>, vector<16xf32>,
      %scan3A_109 = arith.constant 7 : i32
      %scan3A_110 = arith.addi %scan3A_54, %scan3A_109 : i32
      %broadcast_in_dim3A_111 = arith.constant 0.000000e+00 : f32
      %broadcast_in_dim3A_112 = vector.broadcast %broadcast_in_dim3A_111 : f32 to vector<16xf32>
      %mul3A_113 = arith.constant 16 : i32
      %mul3A_114 = arith.muli %scan3A_110, %mul3A_113 : i32
      %swap3A_115 = arith.index_cast %mul3A_114 : i32 to index
      %swap3A_116 = tpu.vector_load %arg12[%swap3A_115] {strides = array<i32>} : memref<3136xf32, #tpu.memory_space<vmem>>, vector<16xf32>,
      tpu.vector_store %arg12[%swap3A_115], %broadcast_in_dim3A_112 {strides = array<i32>} : memref<3136xf32, #tpu.memory_space<vmem>>, vector<16xf32>,
    }
    %scan3A_7 = arith.constant 192 : i32
    %scan3A_8 = arith.addi %scan3A_3, %scan3A_7 : i32
    %broadcast_in_dim3A = arith.constant 0.000000e+00 : f32
    %broadcast_in_dim3A_9 = vector.broadcast %broadcast_in_dim3A : f32 to vector<16xf32>
    %mul3A_10 = arith.constant 16 : i32
    %mul3A_11 = arith.muli %scan3A_8, %mul3A_10 : i32
    %swap3A = arith.index_cast %mul3A_11 : i32 to index
    %swap3A_12 = tpu.vector_load %arg12[%swap3A] {strides = array<i32>} : memref<3136xf32, #tpu.memory_space<vmem>>, vector<16xf32>,
    tpu.vector_store %arg12[%swap3A], %broadcast_in_dim3A_9 {strides = array<i32>} : memref<3136xf32, #tpu.memory_space<vmem>>, vector<16xf32>,
    %scan3A_13 = arith.constant 193 : i32
    %scan3A_14 = arith.addi %scan3A_3, %scan3A_13 : i32
    %broadcast_in_dim3A_15 = arith.constant 0.000000e+00 : f32
    %broadcast_in_dim3A_16 = vector.broadcast %broadcast_in_dim3A_15 : f32 to vector<16xf32>
    %mul3A_17 = arith.constant 16 : i32
    %mul3A_18 = arith.muli %scan3A_14, %mul3A_17 : i32
    %swap3A_19 = arith.index_cast %mul3A_18 : i32 to index
    %swap3A_20 = tpu.vector_load %arg12[%swap3A_19] {strides = array<i32>} : memref<3136xf32, #tpu.memory_space<vmem>>, vector<16xf32>,
    tpu.vector_store %arg12[%swap3A_19], %broadcast_in_dim3A_16 {strides = array<i32>} : memref<3136xf32, #tpu.memory_space<vmem>>, vector<16xf32>,
    %scan3A_21 = arith.constant 194 : i32
    %scan3A_22 = arith.addi %scan3A_3, %scan3A_21 : i32
    %broadcast_in_dim3A_23 = arith.constant 0.000000e+00 : f32
    %broadcast_in_dim3A_24 = vector.broadcast %broadcast_in_dim3A_23 : f32 to vector<16xf32>
    %mul3A_25 = arith.constant 16 : i32
    %mul3A_26 = arith.muli %scan3A_22, %mul3A_25 : i32
    %swap3A_27 = arith.index_cast %mul3A_26 : i32 to index
    %swap3A_28 = tpu.vector_load %arg12[%swap3A_27] {strides = array<i32>} : memref<3136xf32, #tpu.memory_space<vmem>>, vector<16xf32>,
    tpu.vector_store %arg12[%swap3A_27], %broadcast_in_dim3A_24 {strides = array<i32>} : memref<3136xf32, #tpu.memory_space<vmem>>, vector<16xf32>,
    %scan3A_29 = arith.constant 195 : i32
    %scan3A_30 = arith.addi %scan3A_3, %scan3A_29 : i32
    %broadcast_in_dim3A_31 = arith.constant 0.000000e+00 : f32
    %broadcast_in_dim3A_32 = vector.broadcast %broadcast_in_dim3A_31 : f32 to vector<16xf32>
    %mul3A_33 = arith.constant 16 : i32
    %mul3A_34 = arith.muli %scan3A_30, %mul3A_33 : i32
    %swap3A_35 = arith.index_cast %mul3A_34 : i32 to index
    %swap3A_36 = tpu.vector_load %arg12[%swap3A_35] {strides = array<i32>} : memref<3136xf32, #tpu.memory_space<vmem>>, vector<16xf32>,
    tpu.vector_store %arg12[%swap3A_35], %broadcast_in_dim3A_32 {strides = array<i32>} : memref<3136xf32, #tpu.memory_space<vmem>>, vector<16xf32>,
    %scan3A_37 = arith.constant 196 : i32
    %mul3A_38 = arith.constant 3136 : i32
    %mul3A_39 = arith.muli %arg1, %mul3A_38 : i32
    "tpu.region"() ({
      %run_scoped3A = tpu.sem_alloc : memref<!tpu.dma_semaphore, #tpu.memory_space<semaphore_mem>>
      %dma_start3A = tpu.memref_slice %arg13[%mul3A_39] : memref<50176xf32, #tpu.memory_space<vmem_shared>> -> memref<3136xf32, #tpu.memory_space<vmem_shared>>
      %dma_start3A_54 = tpu.memref_slice %arg13[%mul3A_39] : memref<50176xf32, #tpu.memory_space<vmem_shared>> -> memref<3136xf32, #tpu.memory_space<vmem_shared>>
      tpu.enqueue_dma source(%arg12 : memref<3136xf32, #tpu.memory_space<vmem>>) target(%dma_start3A_54 : memref<3136xf32, #tpu.memory_space<vmem_shared>>) target_semaphore(%run_scoped3A : memref<!tpu.dma_semaphore, #tpu.memory_space<semaphore_mem>>)
      %dma_wait3A = tpu.memref_slice %arg13[%mul3A_39] : memref<50176xf32, #tpu.memory_space<vmem_shared>> -> memref<3136xf32, #tpu.memory_space<vmem_shared>>
      %dma_wait3A_55 = tpu.memref_slice %arg13[%mul3A_39] : memref<50176xf32, #tpu.memory_space<vmem_shared>> -> memref<3136xf32, #tpu.memory_space<vmem_shared>>
      tpu.wait_dma2 semaphore(%run_scoped3A : memref<!tpu.dma_semaphore, #tpu.memory_space<semaphore_mem>>) src(%arg12 : memref<3136xf32, #tpu.memory_space<vmem>>) dst(%dma_wait3A_55 : memref<3136xf32, #tpu.memory_space<vmem_shared>>)
      tpu.yield
    }) : () -> ()
    %barrier3A = arith.constant 0 : index
    tpu.barrier barrier_id(%barrier3A)
    %scan3A_40 = arith.constant 0 : i32
    %scan3A_41 = arith.constant 0 : i32
    %scan3A_42 = arith.constant 25 : i32
    %scan3A_43 = arith.addi %scan3A_41, %scan3A_42 : i32
    %scan3A_44 = arith.constant 1 : i32
    scf.for %scan3A_54 = %scan3A_41 to %scan3A_43 step %scan3A_44  : i32 {
      %mul3A_55 = arith.constant 2048 : i32
      %mul3A_56 = arith.muli %scan3A_54, %mul3A_55 : i32
      %add3A_57 = arith.addi %mul3A_2, %mul3A_56 : i32
      "tpu.region"() ({
        %run_scoped3A = tpu.sem_alloc : memref<!tpu.dma_semaphore, #tpu.memory_space<semaphore_mem>>
        %dma_start3A = tpu.memref_slice %arg3[%add3A_57] : memref<1638400xi32, #tpu.memory_space<hbm>> -> memref<2048xi32, #tpu.memory_space<hbm>>
        %dma_start3A_64 = tpu.memref_slice %arg3[%add3A_57] : memref<1638400xi32, #tpu.memory_space<hbm>> -> memref<2048xi32, #tpu.memory_space<hbm>>
        tpu.enqueue_dma source(%dma_start3A_64 : memref<2048xi32, #tpu.memory_space<hbm>>) target(%arg8 : memref<2048xi32, #tpu.memory_space<vmem>>) target_semaphore(%run_scoped3A : memref<!tpu.dma_semaphore, #tpu.memory_space<semaphore_mem>>)
        %dma_wait3A = tpu.memref_slice %arg3[%add3A_57] : memref<1638400xi32, #tpu.memory_space<hbm>> -> memref<2048xi32, #tpu.memory_space<hbm>>
        %dma_wait3A_65 = tpu.memref_slice %arg3[%add3A_57] : memref<1638400xi32, #tpu.memory_space<hbm>> -> memref<2048xi32, #tpu.memory_space<hbm>>
        tpu.wait_dma2 semaphore(%run_scoped3A : memref<!tpu.dma_semaphore, #tpu.memory_space<semaphore_mem>>) src(%dma_wait3A_65 : memref<2048xi32, #tpu.memory_space<hbm>>) dst(%arg8 : memref<2048xi32, #tpu.memory_space<vmem>>)
        tpu.yield
      }) : () -> ()
      "tpu.region"() ({
        %run_scoped3A = tpu.sem_alloc : memref<!tpu.dma_semaphore, #tpu.memory_space<semaphore_mem>>
        %dma_start3A = tpu.memref_slice %arg5[%add3A_57] : memref<1638400xf32, #tpu.memory_space<hbm>> -> memref<2048xf32, #tpu.memory_space<hbm>>
        %dma_start3A_64 = tpu.memref_slice %arg5[%add3A_57] : memref<1638400xf32, #tpu.memory_space<hbm>> -> memref<2048xf32, #tpu.memory_space<hbm>>
        tpu.enqueue_dma source(%dma_start3A_64 : memref<2048xf32, #tpu.memory_space<hbm>>) target(%arg9 : memref<2048xf32, #tpu.memory_space<vmem>>) target_semaphore(%run_scoped3A : memref<!tpu.dma_semaphore, #tpu.memory_space<semaphore_mem>>)
        %dma_wait3A = tpu.memref_slice %arg5[%add3A_57] : memref<1638400xf32, #tpu.memory_space<hbm>> -> memref<2048xf32, #tpu.memory_space<hbm>>
        %dma_wait3A_65 = tpu.memref_slice %arg5[%add3A_57] : memref<1638400xf32, #tpu.memory_space<hbm>> -> memref<2048xf32, #tpu.memory_space<hbm>>
        tpu.wait_dma2 semaphore(%run_scoped3A : memref<!tpu.dma_semaphore, #tpu.memory_space<semaphore_mem>>) src(%dma_wait3A_65 : memref<2048xf32, #tpu.memory_space<hbm>>) dst(%arg9 : memref<2048xf32, #tpu.memory_space<vmem>>)
        tpu.yield
      }) : () -> ()
      "tpu.region"() ({
        %run_scoped3A = tpu.sem_alloc : memref<!tpu.dma_semaphore, #tpu.memory_space<semaphore_mem>>
        %dma_start3A = tpu.memref_slice %arg4[%add3A_57] : memref<1638400xi32, #tpu.memory_space<hbm>> -> memref<2048xi32, #tpu.memory_space<hbm>>
        %dma_start3A_64 = tpu.memref_slice %arg4[%add3A_57] : memref<1638400xi32, #tpu.memory_space<hbm>> -> memref<2048xi32, #tpu.memory_space<hbm>>
        tpu.enqueue_dma source(%dma_start3A_64 : memref<2048xi32, #tpu.memory_space<hbm>>) target(%arg10 : memref<2048xi32, #tpu.memory_space<vmem>>) target_semaphore(%run_scoped3A : memref<!tpu.dma_semaphore, #tpu.memory_space<semaphore_mem>>)
        %dma_wait3A = tpu.memref_slice %arg4[%add3A_57] : memref<1638400xi32, #tpu.memory_space<hbm>> -> memref<2048xi32, #tpu.memory_space<hbm>>
        %dma_wait3A_65 = tpu.memref_slice %arg4[%add3A_57] : memref<1638400xi32, #tpu.memory_space<hbm>> -> memref<2048xi32, #tpu.memory_space<hbm>>
        tpu.wait_dma2 semaphore(%run_scoped3A : memref<!tpu.dma_semaphore, #tpu.memory_space<semaphore_mem>>) src(%dma_wait3A_65 : memref<2048xi32, #tpu.memory_space<hbm>>) dst(%arg10 : memref<2048xi32, #tpu.memory_space<vmem>>)
        tpu.yield
      }) : () -> ()
      %scan3A_58 = arith.constant 0 : i32
      %scan3A_59 = arith.constant 0 : i32
      %scan3A_60 = arith.constant 128 : i32
      %scan3A_61 = arith.addi %scan3A_59, %scan3A_60 : i32
      %scan3A_62 = arith.constant 4 : i32
      scf.for %scan3A_64 = %scan3A_59 to %scan3A_61 step %scan3A_62  : i32 {
        %mul3A_65 = arith.constant 16 : i32
        %mul3A_66 = arith.muli %scan3A_64, %mul3A_65 : i32
        %get3A = arith.index_cast %mul3A_66 : i32 to index
        %get3A_67 = tpu.vector_load %arg8[%get3A] {strides = array<i32>} : memref<2048xi32, #tpu.memory_space<vmem>>, vector<16xi32>,
        %get3A_68 = arith.index_cast %mul3A_66 : i32 to index
        %get3A_69 = tpu.vector_load %arg9[%get3A_68] {strides = array<i32>} : memref<2048xf32, #tpu.memory_space<vmem>>, vector<16xf32>,
        %gather3A = tpu.vector_load_idx %arg7[%get3A_67] : memref<50000xf32, #tpu.memory_space<vmem>>[vector<16xi32>], vector<16xf32>,
        %mul3A_70 = arith.mulf %gather3A, %get3A_69 : vector<16xf32>
        %swap3A_71 = arith.index_cast %mul3A_66 : i32 to index
        %swap3A_72 = tpu.vector_load %arg11[%swap3A_71] {strides = array<i32>} : memref<2048xf32, #tpu.memory_space<vmem>>, vector<16xf32>,
        tpu.vector_store %arg11[%swap3A_71], %mul3A_70 {strides = array<i32>} : memref<2048xf32, #tpu.memory_space<vmem>>, vector<16xf32>,
        %scan3A_73 = arith.constant 1 : i32
        %scan3A_74 = arith.addi %scan3A_64, %scan3A_73 : i32
        %mul3A_75 = arith.constant 16 : i32
        %mul3A_76 = arith.muli %scan3A_74, %mul3A_75 : i32
        %get3A_77 = arith.index_cast %mul3A_76 : i32 to index
        %get3A_78 = tpu.vector_load %arg8[%get3A_77] {strides = array<i32>} : memref<2048xi32, #tpu.memory_space<vmem>>, vector<16xi32>,
        %get3A_79 = arith.index_cast %mul3A_76 : i32 to index
        %get3A_80 = tpu.vector_load %arg9[%get3A_79] {strides = array<i32>} : memref<2048xf32, #tpu.memory_space<vmem>>, vector<16xf32>,
        %gather3A_81 = tpu.vector_load_idx %arg7[%get3A_78] : memref<50000xf32, #tpu.memory_space<vmem>>[vector<16xi32>], vector<16xf32>,
        %mul3A_82 = arith.mulf %gather3A_81, %get3A_80 : vector<16xf32>
        %swap3A_83 = arith.index_cast %mul3A_76 : i32 to index
        %swap3A_84 = tpu.vector_load %arg11[%swap3A_83] {strides = array<i32>} : memref<2048xf32, #tpu.memory_space<vmem>>, vector<16xf32>,
        tpu.vector_store %arg11[%swap3A_83], %mul3A_82 {strides = array<i32>} : memref<2048xf32, #tpu.memory_space<vmem>>, vector<16xf32>,
        %scan3A_85 = arith.constant 2 : i32
        %scan3A_86 = arith.addi %scan3A_64, %scan3A_85 : i32
        %mul3A_87 = arith.constant 16 : i32
        %mul3A_88 = arith.muli %scan3A_86, %mul3A_87 : i32
        %get3A_89 = arith.index_cast %mul3A_88 : i32 to index
        %get3A_90 = tpu.vector_load %arg8[%get3A_89] {strides = array<i32>} : memref<2048xi32, #tpu.memory_space<vmem>>, vector<16xi32>,
        %get3A_91 = arith.index_cast %mul3A_88 : i32 to index
        %get3A_92 = tpu.vector_load %arg9[%get3A_91] {strides = array<i32>} : memref<2048xf32, #tpu.memory_space<vmem>>, vector<16xf32>,
        %gather3A_93 = tpu.vector_load_idx %arg7[%get3A_90] : memref<50000xf32, #tpu.memory_space<vmem>>[vector<16xi32>], vector<16xf32>,
        %mul3A_94 = arith.mulf %gather3A_93, %get3A_92 : vector<16xf32>
        %swap3A_95 = arith.index_cast %mul3A_88 : i32 to index
        %swap3A_96 = tpu.vector_load %arg11[%swap3A_95] {strides = array<i32>} : memref<2048xf32, #tpu.memory_space<vmem>>, vector<16xf32>,
        tpu.vector_store %arg11[%swap3A_95], %mul3A_94 {strides = array<i32>} : memref<2048xf32, #tpu.memory_space<vmem>>, vector<16xf32>,
        %scan3A_97 = arith.constant 3 : i32
        %scan3A_98 = arith.addi %scan3A_64, %scan3A_97 : i32
        %mul3A_99 = arith.constant 16 : i32
        %mul3A_100 = arith.muli %scan3A_98, %mul3A_99 : i32
        %get3A_101 = arith.index_cast %mul3A_100 : i32 to index
        %get3A_102 = tpu.vector_load %arg8[%get3A_101] {strides = array<i32>} : memref<2048xi32, #tpu.memory_space<vmem>>, vector<16xi32>,
        %get3A_103 = arith.index_cast %mul3A_100 : i32 to index
        %get3A_104 = tpu.vector_load %arg9[%get3A_103] {strides = array<i32>} : memref<2048xf32, #tpu.memory_space<vmem>>, vector<16xf32>,
        %gather3A_105 = tpu.vector_load_idx %arg7[%get3A_102] : memref<50000xf32, #tpu.memory_space<vmem>>[vector<16xi32>], vector<16xf32>,
        %mul3A_106 = arith.mulf %gather3A_105, %get3A_104 : vector<16xf32>
        %swap3A_107 = arith.index_cast %mul3A_100 : i32 to index
        %swap3A_108 = tpu.vector_load %arg11[%swap3A_107] {strides = array<i32>} : memref<2048xf32, #tpu.memory_space<vmem>>, vector<16xf32>,
        tpu.vector_store %arg11[%swap3A_107], %mul3A_106 {strides = array<i32>} : memref<2048xf32, #tpu.memory_space<vmem>>, vector<16xf32>,
      }
      %scan3A_63 = arith.constant 128 : i32
      "tpu.region"() ({
        %run_scoped3A = tpu.sem_alloc : memref<!tpu.dma_semaphore, #tpu.memory_space<semaphore_mem>>
        %dma_start3A = arith.constant 0 : i32
        %dma_start3A_64 = tpu.memref_slice %arg13[%dma_start3A] : memref<50176xf32, #tpu.memory_space<vmem_shared>> -> memref<50176xf32, #tpu.memory_space<vmem_shared>>
        tpu.enqueue_indirect_dma source(%arg11 : memref<2048xf32, #tpu.memory_space<vmem>>) target(%dma_start3A_64 : memref<50176xf32, #tpu.memory_space<vmem_shared>>) offsets(%arg10 : memref<2048xi32, #tpu.memory_space<vmem>>) semaphore(%run_scoped3A : memref<!tpu.dma_semaphore, #tpu.memory_space<semaphore_mem>>) {add = true}
        %dma_wait3A = arith.constant 0 : i32
        %dma_wait3A_65 = tpu.memref_slice %arg13[%dma_wait3A] : memref<50176xf32, #tpu.memory_space<vmem_shared>> -> memref<50176xf32, #tpu.memory_space<vmem_shared>>
        tpu.wait_indirect_dma semaphore(%run_scoped3A : memref<!tpu.dma_semaphore, #tpu.memory_space<semaphore_mem>>) src(%arg11 : memref<2048xf32, #tpu.memory_space<vmem>>) dst(%dma_wait3A_65 : memref<50176xf32, #tpu.memory_space<vmem_shared>>)
        tpu.yield
      }) : () -> ()
    }
    %scan3A_45 = arith.constant 25 : i32
    %barrier3A_46 = arith.constant 0 : index
    tpu.barrier barrier_id(%barrier3A_46)
    %mul3A_47 = arith.constant 3136 : i32
    %mul3A_48 = arith.muli %arg1, %mul3A_47 : i32
    "tpu.region"() ({
      %run_scoped3A = tpu.sem_alloc : memref<!tpu.dma_semaphore, #tpu.memory_space<semaphore_mem>>
      %dma_start3A = tpu.memref_slice %arg13[%mul3A_48] : memref<50176xf32, #tpu.memory_space<vmem_shared>> -> memref<3136xf32, #tpu.memory_space<vmem_shared>>
      %dma_start3A_54 = tpu.memref_slice %arg13[%mul3A_48] : memref<50176xf32, #tpu.memory_space<vmem_shared>> -> memref<3136xf32, #tpu.memory_space<vmem_shared>>
      tpu.enqueue_dma source(%dma_start3A_54 : memref<3136xf32, #tpu.memory_space<vmem_shared>>) target(%arg12 : memref<3136xf32, #tpu.memory_space<vmem>>) target_semaphore(%run_scoped3A : memref<!tpu.dma_semaphore, #tpu.memory_space<semaphore_mem>>)
      %dma_wait3A = tpu.memref_slice %arg13[%mul3A_48] : memref<50176xf32, #tpu.memory_space<vmem_shared>> -> memref<3136xf32, #tpu.memory_space<vmem_shared>>
      %dma_wait3A_55 = tpu.memref_slice %arg13[%mul3A_48] : memref<50176xf32, #tpu.memory_space<vmem_shared>> -> memref<3136xf32, #tpu.memory_space<vmem_shared>>
      tpu.wait_dma2 semaphore(%run_scoped3A : memref<!tpu.dma_semaphore, #tpu.memory_space<semaphore_mem>>) src(%dma_wait3A_55 : memref<3136xf32, #tpu.memory_space<vmem_shared>>) dst(%arg12 : memref<3136xf32, #tpu.memory_space<vmem>>)
      tpu.yield
    }) : () -> ()
    %mul3A_49 = arith.constant 50176 : i32
    %mul3A_50 = arith.muli %arg0, %mul3A_49 : i32
    %mul3A_51 = arith.constant 3136 : i32
    %mul3A_52 = arith.muli %arg1, %mul3A_51 : i32
    %add3A_53 = arith.addi %mul3A_50, %mul3A_52 : i32
    "tpu.region"() ({
      %run_scoped3A = tpu.sem_alloc : memref<!tpu.dma_semaphore, #tpu.memory_space<semaphore_mem>>
      %dma_start3A = tpu.memref_slice %arg6[%add3A_53] : memref<100352xf32, #tpu.memory_space<hbm>> -> memref<3136xf32, #tpu.memory_space<hbm>>
      %dma_start3A_54 = tpu.memref_slice %arg6[%add3A_53] : memref<100352xf32, #tpu.memory_space<hbm>> -> memref<3136xf32, #tpu.memory_space<hbm>>
      tpu.enqueue_dma source(%arg12 : memref<3136xf32, #tpu.memory_space<vmem>>) target(%dma_start3A_54 : memref<3136xf32, #tpu.memory_space<hbm>>) target_semaphore(%run_scoped3A : memref<!tpu.dma_semaphore, #tpu.memory_space<semaphore_mem>>)
      %dma_wait3A = tpu.memref_slice %arg6[%add3A_53] : memref<100352xf32, #tpu.memory_space<hbm>> -> memref<3136xf32, #tpu.memory_space<hbm>>
      %dma_wait3A_55 = tpu.memref_slice %arg6[%add3A_53] : memref<100352xf32, #tpu.memory_space<hbm>> -> memref<3136xf32, #tpu.memory_space<hbm>>
      tpu.wait_dma2 semaphore(%run_scoped3A : memref<!tpu.dma_semaphore, #tpu.memory_space<semaphore_mem>>) src(%arg12 : memref<3136xf32, #tpu.memory_space<vmem>>) dst(%dma_wait3A_55 : memref<3136xf32, #tpu.memory_space<hbm>>)
      tpu.yield
    }) : () -> ()
    return
  }
}

</mosaic_0001>

<sc_bundles>
// kernel: body.5.cloned.1.call-start
scs
__scs_entry_jumppad:
0x0: {  	(pc) =	sbr.rel $0x88, $3  }
0x1: {  	(tag) =	ssettag $0x0;
	lr =	simm.s32 $0x1  }
0x2: {  	[smem:$0x3F96] =	sst lr;
	_ =	strace $0xD0000000  }
0x3: {  	_ = 	snop  }
0x4: {  	_ = 	snop  }
0x5: {  	_ = 	snop  }
0x6: {  	_ = 	snop  }
0x7: {  	_ = 	snop  }
__scs_overlays_trampoline_lowered:
0x8: {  	[smem:$0x3FA5] =	sst s0  }
0x9: {  	[smem:$0x3FA6] =	sst s1  }
0xa: {  	[smem:$0x3FA7] =	sst s2  }
0xb: {  	[smem:$0x3FA8] =	sst s3  }
0xc: {  	[smem:$0x3FA9] =	sst s4  }
0xd: {  	[smem:$0x3FAA] =	sst s5  }
0xe: {  	[smem:$0x3FAB] =	sst s6  }
0xf: {  	[smem:$0x3FAC] =	sst s7  }
0x10: {  	[smem:$0x3FAD] =	sst s8  }
0x11: {  	[smem:$0x3FAE] =	sst s9;
	s0 =	simm.s32 @!p0 $0x0  }
0x12: {  	s1 =	sld [smem:$0x3F94];
	s0 =	simm.s32 @p0 $0x1  }
0x13: {  	[smem:$0x3FAF] =	sst s0;
	s0 =	simm.s32 @!p1 $0x0  }
0x14: {  	s2 =	sld [smem:$0x3F93];
	s0 =	simm.s32 @p1 $0x1  }
0x15: {  	[smem:$0x3FB0] =	sst s0;
	s0 =	simm.s32 @!p2 $0x0  }
0x16: {  	s3 =	sld [smem:$0x3FDB];
	s0 =	simm.s32 @p2 $0x1  }
0x17: {  	s4 =	simm.s32 $0x1BF5;
	[smem:$0x3FB2] =	sst s0  }
0x18: {  	s0 =	sld [smem:$0x3F95];
	_ =	swait.ge [sflag:s4], $0x0  }
0x19: {  	s7 =	sld [smem:$0x3F96]  }
0x1a: {  	s8 =	sadd.s32 $0xFFFFE003, lr  }
0x1b: {  	s9 =	sadd.s32 $0xFFFFFEF7, lr;
	s5 =	simm.s32 $0xFFFFFFFF;
	p2 =	slt.u32 s8, $0xFFFFF086  }
0x1c: {  	p1 =	slt.u32 s9, $0xF7A;
	s5 =	simm.s32 @!p2 $0x0  }
0x1d: {  	s5 =	simm.s32 @p1 $0x1;
	p0 =	seq.s32 s7, s2  }
0x1e: {  	s7 =	smul.u32 @!p0 $0xF7A, s2;
	p2 =	seq.s32 @!p0 s5, $0x0  }
0x1f: {  	s9 =	smul.u32 $0xF7A, s1;
	s8 =	simm.s32 @!p0 $0x1BF5;
	p2 =	por !p2, p0  }
0x20: {  	[sflag:s8] =	ssyncset.s32 @!p0 $0xFFFFF086;
	s6 =	sadd.s32 @!p0 s3, s7;
	s7 =	simm.s32 @!p0 $0x108  }
0x21: {  	s3 =	sadd.s32 s3, s9;
	s6 =	sadd.s32 @!p0 $0x88, s6;
	s7 =	simm.s32 @p2 $0x1082  }
0x22: {  	[simem:s7], [sflag:s8] =	dma.local @!p0 [hbm:s6], $0xF7A  }
0x23: {  	s9 =	sor.u32 $0xD0000000, s2;
	s6 =	simm.s32 $0x108;
	_ =	swait.ge @!p0 [sflag:s8], $0x0  }
0x24: {  	s3 =	sadd.s32 $0x88, s3;
	s6 =	simm.s32 @!p1 $0x1082;
	[sflag:s4] =	ssyncset.s32 $0xFFFFF086  }
0x25: {  	[simem:s6], [sflag:s4] =	dma.local [hbm:s3], $0xF7A  }
0x26: {  	[smem:$0x3F96] =	sst s1;
	(tag) =	ssettag s2;
	_ =	strace s9  }
0x27: {  	s1 =	sld [smem:$0x3FA6]  }
0x28: {  	s2 =	sld [smem:$0x3FA7]  }
0x29: {  	s4 =	sld [smem:$0x3FA9]  }
0x2a: {  	p0 =	seq.s32 s5, $0x0;
	s5 =	sld [smem:$0x3FAA]  }
0x2b: {  	s6 =	sld [smem:$0x3FAB]  }
0x2c: {  	s7 =	sld [smem:$0x3FAC]  }
0x2d: {  	s3 =	simm.s32 $0x108;
	s8 =	sld [smem:$0x3FAD]  }
0x2e: {  	s3 =	simm.s32 @!p0 $0x1082;
	s9 =	sld [smem:$0x3FAE]  }
0x2f: {  	lr =	sadd.s32 s0, s3;
	s0 =	sld [smem:$0x3FA5]  }
0x30: {  	s3 =	sld [smem:$0x3FA8]  }
0x31: {  	[smem:$0x3FB1] =	sst s10  }
0x32: {  	s10 =	sld [smem:$0x3FAF];
	_ =	sdelay $0x3  }
0x33: {  	p0 =	seq.s32 s10, $0x1;
	s10 =	sld [smem:$0x3FB1];
	_ =	sdelay $0x3  }
0x34: {  	[smem:$0x3FB1] =	sst s10  }
0x35: {  	s10 =	sld [smem:$0x3FB0];
	_ =	sdelay $0x3  }
0x36: {  	p1 =	seq.s32 s10, $0x1;
	s10 =	sld [smem:$0x3FB1];
	_ =	sdelay $0x3  }
0x37: {  	[smem:$0x3FB1] =	sst s10  }
0x38: {  	s10 =	sld [smem:$0x3FB2]  }
0x39: {  	_ = 	snop;
	(pc) =	sbr.ind lr, $3  }
0x3a: {  	_ = 	snop  }
0x3b: {  	_ = 	snop  }
0x3c: {  	p2 =	seq.s32 s10, $0x1;
	s10 =	sld [smem:$0x3FB1]  }
0x3d: {  	_ =	shalt  }
0x3e: {  	_ =	shalt  }
0x3f: {  	_ =	shalt  }
0x40: {  	_ =	shalt  }
0x41: {  	_ =	shalt  }
0x42: {  	_ =	shalt  }
0x43: {  	_ =	shalt  }
0x44: {  	_ =	shalt  }
0x45: {  	_ =	shalt  }
0x46: {  	_ =	shalt  }
0x47: {  	_ =	shalt  }
0x48: {  	_ =	shalt  }
0x49: {  	_ =	shalt  }
0x4a: {  	_ =	shalt  }
0x4b: {  	_ =	shalt  }
0x4c: {  	_ =	shalt  }
0x4d: {  	_ =	shalt  }
0x4e: {  	_ =	shalt  }
0x4f: {  	_ =	shalt  }
0x50: {  	_ =	shalt  }
0x51: {  	_ =	shalt  }
0x52: {  	_ =	shalt  }
0x53: {  	_ =	shalt  }
0x54: {  	_ =	shalt  }
0x55: {  	_ =	shalt  }
0x56: {  	_ =	shalt  }
0x57: {  	_ =	shalt  }
0x58: {  	_ =	shalt  }
0x59: {  	_ =	shalt  }
0x5a: {  	_ =	shalt  }
0x5b: {  	_ =	shalt  }
0x5c: {  	_ =	shalt  }
0x5d: {  	_ =	shalt  }
0x5e: {  	_ =	shalt  }
0x5f: {  	_ =	shalt  }
0x60: {  	_ =	shalt  }
0x61: {  	_ =	shalt  }
0x62: {  	_ =	shalt  }
0x63: {  	_ =	shalt  }
0x64: {  	_ =	shalt  }
0x65: {  	_ =	shalt  }
0x66: {  	_ =	shalt  }
0x67: {  	_ =	shalt  }
0x68: {  	_ =	shalt  }
0x69: {  	_ =	shalt  }
0x6a: {  	_ =	shalt  }
0x6b: {  	_ =	shalt  }
0x6c: {  	_ =	shalt  }
0x6d: {  	_ =	shalt  }
0x6e: {  	_ =	shalt  }
0x6f: {  	_ =	shalt  }
0x70: {  	_ =	shalt  }
0x71: {  	_ =	shalt  }
0x72: {  	_ =	shalt  }
0x73: {  	_ =	shalt  }
0x74: {  	_ =	shalt  }
0x75: {  	_ =	shalt  }
0x76: {  	_ =	shalt  }
0x77: {  	_ =	shalt  }
0x78: {  	_ =	shalt  }
0x79: {  	_ =	shalt  }
0x7a: {  	_ =	shalt  }
0x7b: {  	_ =	shalt  }
0x7c: {  	_ =	shalt  }
0x7d: {  	_ =	shalt  }
0x7e: {  	_ =	shalt  }
0x7f: {  	_ =	shalt  }
0x80: {  	_ =	shalt  }
0x81: {  	_ =	shalt  }
0x82: {  	_ =	shalt  }
0x83: {  	_ =	shalt  }
0x84: {  	_ =	shalt  }
0x85: {  	_ =	shalt  }
0x86: {  	_ =	shalt  }
0x87: {  	_ =	shalt  }
.Lfunc_end0:
.L_simem_size_0:
called_computation_lowered:
.L_overlay_start_0:
0x88: {  	s2 =	sld [smem:$0x3FD9]  }
0x89: {  	s3 =	sld [smem:$0x3FFE];
	_ =	sdelay $0x1  }
0x8a: {  	s1 =	srdreg.scid  }
0x8b: {  	s0 =	sand.u32 $0x1, s1  }
0x8c: {  	s16 =	sshll.u32 s0, $0xA;
	s2 =	sadd.s32 s3, s2  }
0x8d: {  	s2 =	sadd.s32 s2, s16  }
0x8e: {  	[smem:$0x3FBD] =	sst s2  }
0x8f: {  	_ = 	snop  }
0x90: {  	(tm) =	ssettm $0x1  }
0x91: {  	s17 =	sld [smem:$0x3FFB];
	_ =	sdelay $0x3  }
0x92: {  	_ =	strace s17  }
0x93: {  	s2 =	sld [smem:$0x3FFC];
	_ =	sdelay $0x3  }
0x94: {  	_ =	strace s2  }
0x95: {  	s2 =	sld [smem:$0x3FFD];
	_ =	sdelay $0x3  }
0x96: {  	_ =	strace s2  }
0x97: {  	_ =	strace $0x8FFFFFFF  }
0x98: {  	s18 =	sld [smem:$0x3FDB];
	_ =	sdelay $0x1  }
0x99: {  	s19 =	simm.s32 $_scs_section_size  }
0x9a: {  	s4 =	simm.s32 $_size__tile_overlayer_lowered;
	s5 =	simm.s32 $_tile_overlayer_lowered  }
0x9b: {  	s22 =	simm.s32 $0x1BFF;
	s21 =	sshll.u32 s5, $0x1;
	s2 =	sadd.s32 s19, s18  }
0x9c: {  	s6 =	simm.s32 $0x0;
	s20 =	sshll.u32 s4, $0x1;
	s4 =	sadd.s32 s21, s2  }
0x9d: {  	[timem:s6], [sflag:s22] =	dma.local [hbm:s4], s20  }
0x9e: {  	_ =	swait.ge [sflag:s22], s20  }
0x9f: {  	s3 =	ssub.s32 $0x0, s20;
	[sflag:s22] =	ssyncset.done $0x0  }
0xa0: {  	[sflag:s22] =	ssyncadd.s32 s3;
	_ =	sdelay $0x1  }
0xa1: {  	s23 =	simm.s32 $0x1B8B  }
0xa2: {  	_ =	swait.ge [sflag:s23], $0x1  }
0xa3: {  	[sflag:s23] =	ssyncset.done $0x0  }
0xa4: {  	s25 =	simm.s32 $0x1B8E;
	s24 =	sld [smem:$0x3FFE];
	[sflag:s23] =	ssyncadd.s32 $0xFFFFFFFF  }
0xa5: {  	s26 =	simm.s32 $execute0_lowered;
	[smem:$0x3FD2] =	sst s25  }
0xa6: {  	s4 =	sshll.u32 s26, $0x1;
	_ =	strace $0x80000046;
	[dreg:$0x1] =	wrdreg $0xFFFFFFFF  }
0xa7: {  	s28 =	simm.s32 $_size_execute0_lowered;
	s2 =	sadd.s32 s2, s4;
	[dreg:$0x0] =	wrdreg $0x0  }
0xa8: {  	s4 =	sshll.u32 s28, $0x1;
	[dreg:$0x2] =	wrdreg s2  }
0xa9: {  	[dreg:$0x3] =	wrdreg s4  }
0xaa: {  	[dreg:$0x4] =	wrdreg $0xC0  }
0xab: {  	_ =	task [dreg:s6], $0x5FFFF  }
0xac: {  	[dreg:$0x1] =	wrdreg $0xFFFFFFFF  }
0xad: {  	[dreg:$0x0] =	wrdreg $0x60  }
0xae: {  	[dreg:$0x2] =	wrdreg s24  }
0xaf: {  	[dreg:$0x3] =	wrdreg $0xF0000  }
0xb0: {  	[dreg:$0x4] =	wrdreg $0x9  }
0xb1: {  	_ =	task.clear_ibuf [dreg:s6], $0x5FFFF;
	_ =	strace $0x90000046  }
0xb2: {  	s29 =	simm.s32 $0x9;
	_ =	strace $0x80000048  }
0xb3: {  	_ =	swait.ge [sflag:s29], $0x1  }
0xb4: {  	[sflag:s29] =	ssyncadd.s32 $0xFFFFFFFF  }
0xb5: {  	_ =	strace $0x90000048  }
0xb6: {  	_ =	sfence  }
0xb7: {  	s30 =	sld [smem:$0x0];
	_ =	sdelay $0x2  }
0xb8: {  	s31 =	sshll.u32 s1, $0xD;
	s1 =	sshrl.u32 s1, $0x2  }
0xb9: {  	s3 =	sand.u32 $0x4000, s31;
	s1 =	sadd.s32 s1, s30  }
0xba: {  	s0 =	sor.u32 s3, s0;
	s1 =	sshll.u32 s1, $0x11  }
0xbb: {  	s0 =	sor.u32 s1, s0  }
0xbc: {  	s0 =	sadd.s32 $0x8F2B, s0  }
0xbd: {  	[sflag:s0] =	ssyncadd.remote.s32 $0x1  }
0xbe: {  	_ =	sfence.sel $0xFFFF  }
0xbf: {  	[dreg:$0x0] =	wrdreg $0xFFFFFFFF;
	(pc) =	sbr.abs _section_cstart, $3  }
0xc0: {  	[dreg:$0x1] =	wrdreg $0xFFFFFFFF  }
0xc1: {  	_ =	task.clear_ibuf [dreg:s6], $0x2FFFF;
	_ =	strace $0x9FFFFFFF  }
0xc2: {  	(tm) =	ssettm $0x7FFFFFFF  }
0xc3: {  	_ =	shalt  }
tec
execute0_lowered:
.L_overlay_start_1:
0x0: {  	(tag) =	ssettag $0x1  }
0x1: {  	s8 =	rddreg [dreg:$0x0]  }
0x2: {  	s2 =	rddreg [dreg:$0x1]  }
0x3: {  	s0 =	rddreg [dreg:$0x2];
	s3 =	simm.s32 $0x0;
	s4 =	srdreg.scid  }
0x4: {  	s1 =	stileid.u32;
	s14 =	simm.s32 $0xC380;
	s15 =	simm.s32 $0xCB80  }
0x5: {  	s16 =	simm.s32 $0xD380;
	s17 =	simm.s32 $0x800;
	s18 =	simm.s32 $0xDB80  }
0x6: {  	s19 =	simm.s32 $0x0;
	[smem:$0x7FF] =	sst s3;
	s9 =	sand.u32 $0x1, s4  }
0x7: {  	s10 =	smul.u32 $0xC40, s1;
	s4 =	sadd.s32 $0x97A00, s8;
	s5 =	sadd.s32 $0x33A00, s8  }
0x8: {  	s6 =	sadd.s32 $0x65A00, s8;
	s7 =	sadd.s32 $0x1A00, s8;
	s11 =	smul.u32 $0xC400, s9  }
0x9: {  	_ =	strace $0x80000047;
	s12 =	ssub.s32 $0x2, s9;
	s9 =	sshll.u32 s9, $0x4  }
0xa: {  	s13 =	sshrl.u32 s12, $0x1;
	s31 =	sor.u32 s1, s9;
	s11 =	sadd.s32 s10, s11  }
0xb: {  	s9 =	sadd.s32 s10, s2;
	s12 =	ssub.s32 s12, s13;
	s11 =	sshrl.u32 s11, $0x3  }
0xc: {  	s13 =	simm.s32 $0xE380;
	s11 =	sadd.s32 s11, s8;
	s8 =	smul.u32 $0xC800, s31  }
0xd: {  	v0 =	vimm.f32 $0.0e+00;
	s10 =	sadd.s32 $0x99400, s11;
	s11 =	smax.u32 s12, $0x1;
	s12 =	simm.s32 $0x1  }
.LBB2_1:
0xe: {  	[tilespmem:s3], [sflag:$0x1] =	stream.linear.gather [hbm4b:s4+s3], $0xC380, $0x38;
	[tilespmem:$0xFC40] =	vst v63  }
0xf: {  	_ =	swait.ge [sflag:s12], $0xC380  }
0x10: {  	[sflag:s12] =	ssyncset.done $0x0  }
0x11: {  	s20 =	simm.s32 $0xE3C0;
	[sflag:s12] =	ssyncadd.s32 $0xFFFF3C80  }
0x12: {  	[tilespmem:s20+$0xFFFFFFC0] =	vst v0  }
0x13: {  	[tilespmem:s20+$0x30] =	vst v0  }
0x14: {  	[tilespmem:s20+$0x20] =	vst v0  }
0x15: {  	[tilespmem:s20+$0x10] =	vst v0  }
0x16: {  	[tilespmem:s20+$0x0] =	vst v0  }
0x17: {  	[tilespmem:s20+$0xFFFFFFF0] =	vst v0  }
0x18: {  	s21 =	simm.s32 $0x0;
	[tilespmem:s20+$0xFFFFFFE0] =	vst v0  }
.LBB2_2:
0x19: {  	s21 =	sadd.s32 $0x8, s21;
	[tilespmem:s20+$0xFFFFFFD0] =	vst v0;
	s20 =	sadd.s32 $0x80, s20  }
0x1a: {  	[tilespmem:s20+$0xFFFFFFC0] =	vst v0;
	p0 =	slt.u32 s21, $0xB8  }
0x1b: {  	[tilespmem:s20+$0x30] =	vst v0  }
.Ltmp0:
0x1c: {  	[tilespmem:s20+$0x20] =	vst v0;
	(pc) =	sbr.rel @p0 .LBB2_2-.Ltmp0, $4  }
0x1d: {  	[tilespmem:s20+$0x10] =	vst v0  }
0x1e: {  	[tilespmem:s20+$0x0] =	vst v0  }
0x1f: {  	[tilespmem:s20+$0xFFFFFFF0] =	vst v0  }
0x20: {  	[tilespmem:s20+$0xFFFFFFE0] =	vst v0  }
0x21: {  	[tilespmem:s20+$0xFFFFFFD0] =	vst v0  }
0x22: {  	[tilespmem:$0xEF80] =	vst v0  }
0x23: {  	[tilespmem:$0xEF90] =	vst v0  }
0x24: {  	[tilespmem:$0xEFA0] =	vst v0  }
0x25: {  	[tilespmem:$0xEFB0] =	vst v0  }
0x26: {  	[spmem:s9] =	stream.linear.scatter [tilespmem:s13], [sflag:$0x1], $0xC40, $0x38;
	[tilespmem:$0xFC40] =	vst v63  }
0x27: {  	_ =	swait.ge [sflag:s12], $0xC40  }
0x28: {  	[sflag:s12] =	ssyncset.done $0x0  }
0x29: {  	[sflag:s12] =	ssyncadd.s32 $0xFFFFF3C0  }
0x2a: {  	s20 =	simm.s32 $0x0;
	[bflag:$0x0] =	sbarrier.arrive $0xFFFF  }
.LBB2_4:
0x2b: {  	s21 =	sshll.u32 s20, $0xB  }
0x2c: {  	s21 =	sadd.s32 s8, s21  }
0x2d: {  	s21 =	sshrl.u32 s21, $0x3  }
0x2e: {  	s22 =	sadd.s32 s5, s21  }
0x2f: {  	[tilespmem:s14], [sflag:$0x1] =	stream.linear.gather [hbm4b:s22+s3], $0x800, $0x38;
	[tilespmem:$0xFC40] =	vst v63  }
0x30: {  	_ =	swait.ge [sflag:s12], $0x800  }
0x31: {  	[sflag:s12] =	ssyncset.done $0x0  }
0x32: {  	s31 =	sadd.s32 s7, s21;
	[sflag:s12] =	ssyncadd.s32 $0xFFFFF800  }
0x33: {  	[tilespmem:s15], [sflag:$0x1] =	stream.linear.gather [hbm4b:s31+s3], $0x800, $0x38;
	[tilespmem:$0xFC40] =	vst v63  }
0x34: {  	_ =	swait.ge [sflag:s12], $0x800  }
0x35: {  	[sflag:s12] =	ssyncset.done $0x0  }
0x36: {  	s21 =	sadd.s32 s6, s21;
	[sflag:s12] =	ssyncadd.s32 $0xFFFFF800  }
0x37: {  	[tilespmem:s16], [sflag:$0x1] =	stream.linear.gather [hbm4b:s21+s3], $0x800, $0x38;
	[tilespmem:$0xFC40] =	vst v63  }
0x38: {  	_ =	swait.ge [sflag:s12], $0x800  }
0x39: {  	s23 =	simm.s32 $0xCBA0;
	s24 =	simm.s32 $0xC3A0;
	[sflag:s12] =	ssyncset.done $0x0  }
0x3a: {  	s22 =	simm.s32 $0xDBA0;
	s21 =	simm.s32 $0xFFFFFFFC;
	[sflag:s12] =	ssyncadd.s32 $0xFFFFF800  }
.LBB2_5:
0x3b: {  	v1 =	vld [tilespmem:s24+$0xFFFFFFE0];
	_ =	sdelay $0x6  }
0x3c: {  	v2 =	vld [tilespmem:s23+$0xFFFFFFE0]  }
0x3d: {  	v1 =	vld.idx.msk [tilespmem:v1+s3+$0x0], $0xffff;
	_ =	sdelay $0x4  }
0x3e: {  	v1 =	vmul.f32 v1, v2;
	_ =	sdelay $0x1  }
0x3f: {  	[tilespmem:s22+$0xFFFFFFE0] =	vst v1  }
0x40: {  	v1 =	vld [tilespmem:s24+$0xFFFFFFF0];
	_ =	sdelay $0x6  }
0x41: {  	v2 =	vld [tilespmem:s23+$0xFFFFFFF0]  }
0x42: {  	v1 =	vld.idx.msk [tilespmem:v1+s3+$0x0], $0xffff;
	_ =	sdelay $0x4  }
0x43: {  	v1 =	vmul.f32 v1, v2;
	_ =	sdelay $0x1  }
0x44: {  	[tilespmem:s22+$0xFFFFFFF0] =	vst v1  }
0x45: {  	v1 =	vld [tilespmem:s24+$0x0];
	_ =	sdelay $0x6  }
0x46: {  	v2 =	vld [tilespmem:s23+$0x0]  }
0x47: {  	v1 =	vld.idx.msk [tilespmem:v1+s3+$0x0], $0xffff;
	_ =	sdelay $0x4  }
0x48: {  	v1 =	vmul.f32 v1, v2;
	_ =	sdelay $0x1  }
0x49: {  	[tilespmem:s22+$0x0] =	vst v1  }
0x4a: {  	v1 =	vld [tilespmem:s24+$0x10];
	_ =	sdelay $0x6  }
0x4b: {  	v2 =	vld [tilespmem:s23+$0x10]  }
0x4c: {  	v1 =	vld.idx.msk [tilespmem:v1+s3+$0x0], $0xffff  }
0x4d: {  	s21 =	sadd.s32 $0x4, s21  }
0x4e: {  	p0 =	slt.u32 s21, $0x7C  }
.Ltmp1:
0x4f: {  	_ = 	snop;
	(pc) =	sbr.rel @p0 .LBB2_5-.Ltmp1, $3  }
0x50: {  	_ = 	snop  }
0x51: {  	v1 =	vmul.f32 v1, v2;
	_ =	sdelay $0x1  }
0x52: {  	s23 =	sadd.s32 $0x40, s23;
	s24 =	sadd.s32 $0x40, s24;
	[tilespmem:s22+$0x10] =	vst v1;
	s22 =	sadd.s32 $0x40, s22  }
0x53: {  	s20 =	sadd.s32 $0x1, s20  }
0x54: {  	p0 =	sne.s32 s20, $0x19  }
.Ltmp2:
0x55: {  	_ = 	snop;
	(pc) =	sbr.rel @p0 .LBB2_4-.Ltmp2, $4  }
0x56: {  	[spmem:s2] =	stream.indirect.scatter.add.f32 [tilespmem:s18], [sflag:$0x1], $0x1, s16, s17, $0xb8;
	[tilespmem:$0xFC40] =	vst v63  }
0x57: {  	_ =	swait.ge [sflag:s12], $0x800  }
0x58: {  	[sflag:s12] =	ssyncset.done $0x0  }
0x59: {  	[sflag:s12] =	ssyncadd.s32 $0xFFFFF800  }
0x5a: {  	[bflag:$0x0] =	sbarrier.arrive $0xFFFF  }
0x5b: {  	[tilespmem:s13], [sflag:$0x1] =	stream.linear.gather [spmem:s9], $0xC40, $0x38;
	[tilespmem:$0xFC40] =	vst v63  }
0x5c: {  	s19 =	sadd.s32 $0x1, s19;
	_ =	swait.ge [sflag:s12], $0xC40  }
0x5d: {  	p0 =	sne.s32 s19, s11;
	[sflag:s12] =	ssyncset.done $0x0  }
.Ltmp3:
0x5e: {  	[sflag:s12] =	ssyncadd.s32 $0xFFFFF3C0;
	(pc) =	sbr.rel @p0 .LBB2_1-.Ltmp3, $4  }
0x5f: {  	[hbm4b:s10+s3] =	stream.linear.scatter [tilespmem:s13], [sflag:$0x1], $0xC40, $0x38;
	[tilespmem:$0xFC40] =	vst v63  }
0x60: {  	_ =	swait.ge [sflag:s12], $0xC40  }
0x61: {  	[sflag:s12] =	ssyncset.done $0x0  }
0x62: {  	[sflag:s12] =	ssyncadd.s32 $0xFFFFF3C0  }
0x63: {  	_ =	sfence.sel $0x180000  }
0x64: {  	[bflag:$0x0] =	sbarrier.arrive $0xFFFF  }
0x65: {  	p0 =	sne.s32 s1, $0x0;
	_ =	strace $0x90000047  }
0x66: {  	s0 =	sadd.s32 @!p0 $0x100000, s0;
	[bflag:$0x2] =	sbarrier.arrive $0xFFFF  }
0x67: {  	[sflag:s0] =	ssyncadd.tile.s32 @!p0 $0x1;
	_ =	shalt  }
.Lfunc_end2:
_tile_overlayer_lowered:
.L_overlay_start_2:
0x68: {  	(tag) =	ssettag $0x2  }
0x69: {  	s0 =	rddreg [dreg:$0x0];
	s2 =	stileid.u32  }
0x6a: {  	s1 =	rddreg [dreg:$0x1];
	p0 =	sne.s32 s2, $0x0  }
0x6b: {  	s3 =	rddreg [dreg:$0x2];
	[bflag:$0x3] =	sbarrier.arrive $0xFFFF;
	s2 =	simm.s32 @!p0 $0x1C01  }
0x6c: {  	[timem:s3], [sflag:s2] =	dma.local @!p0 [hbm:s0], s1  }
0x6d: {  	s0 =	simm.s32 @!p0 $0x1  }
0x6e: {  	_ =	swait.ge @!p0 [sflag:s0], s1  }
0x6f: {  	s1 =	ssub.s32 @!p0 $0x0, s1;
	[sflag:s0] =	ssyncset.done @!p0 $0x0  }
0x70: {  	[sflag:s0] =	ssyncadd.s32 @!p0 s1  }
0x71: {  	[bflag:$0x3] =	sbarrier.arrive $0xFFFF  }
0x72: {  	_ =	shalt  }

</sc_bundles>
